<compile_context>
chip_gen: v7x
topology: tpu7x:2x2x1
jax: 0.10.2.dev20260603
libtpu: 0.0.44.dev20260713+nightly
codegen_flags: <defaults>
</compile_context>

<pallas_src>
import functools
import math

import jax
import jax.numpy as jnp
from jax import lax
from jax.experimental import pallas as pl
from jax.experimental.pallas import tpu as pltpu
from jax.experimental.pallas import tpu_sc as plsc

_B = 1024
_D = 64
_K = 100000
_TEMP = 0.05
_CHUNK = 8192
_NB = -(-_K // _CHUNK)
_REM = _K - (_NB - 1) * _CHUNK
_NG = 2 * _B
_LOG2E = math.log2(math.e)
_LN2 = math.log(2.0)


def _gather_rows(table, idx):
    info = plsc.get_sparse_core_info()
    nc = info.num_cores
    nw = nc * info.num_subcores
    n = idx.shape[0]
    b_per_w = n // nw

    @functools.partial(
        pl.kernel,
        mesh=plsc.VectorSubcoreMesh(core_axis_name="c", subcore_axis_name="s"),
        out_type=jax.ShapeDtypeStruct((n, 2 * _D), jnp.float32),
        scratch_types=[
            pltpu.VMEM((b_per_w,), jnp.int32),
            pltpu.VMEM((b_per_w, 2 * _D), jnp.float32),
            pltpu.SemaphoreType.DMA,
        ],
    )
    def gath(table_hbm, idx_hbm, out_hbm, idx_v, rows_v, sem):
        wid = lax.axis_index("s") * nc + lax.axis_index("c")
        base = wid * b_per_w
        pltpu.sync_copy(idx_hbm.at[pl.ds(base, b_per_w)], idx_v)
        pltpu.async_copy(table_hbm.at[idx_v], rows_v, sem).wait()
        pltpu.sync_copy(rows_v, out_hbm.at[pl.ds(base, b_per_w)])

    return gath(table, idx)


def _lse_kernel(x_ref, memt_ref, lse_ref, pad_ref, xs_ref, m_ref, s_ref):
    i = pl.program_id(0)

    @pl.when(i == 0)
    def _init():
        x = x_ref[...]
        nrm = jnp.sqrt(jnp.sum(x * x, axis=1, keepdims=True))
        xs_ref[...] = x * (_LOG2E / _TEMP) / jnp.maximum(nrm, 1e-12)
        m_ref[...] = jnp.full((_B, 1), -1e30, jnp.float32)
        s_ref[...] = jnp.zeros((_B, 1), jnp.float32)

    memt = memt_ref[...]
    pad_ref[:, 0:_D] = jnp.transpose(memt)
    dot = lax.dot_general(xs_ref[...], memt, (((1,), (0,)), ((), ())),
                          preferred_element_type=jnp.float32)

    def _update(dotv):
        cm = jnp.max(dotv, axis=1, keepdims=True)
        m_old = m_ref[...]
        m_new = jnp.maximum(m_old, cm)
        e = jnp.exp2(dotv - m_new)
        ssum = jnp.sum(e, axis=1, keepdims=True)
        s_ref[...] = s_ref[...] * jnp.exp2(m_old - m_new) + ssum
        m_ref[...] = m_new

    @pl.when(i < _NB - 1)
    def _full():
        _update(dot)

    @pl.when(i == _NB - 1)
    def _partial():
        col = lax.broadcasted_iota(jnp.int32, (_B, _CHUNK), 1)
        _update(jnp.where(col < _REM, dot, -1e30))

    @pl.when(i == _NB - 1)
    def _fin():
        lse_ref[...] = m_ref[...] * _LN2 + jnp.log(s_ref[...])


def _combine_kernel(x_ref, b_ref, g_ref, lse_ref, out_ref):
    x = x_ref[...]
    xn = x / jnp.maximum(
        jnp.sqrt(jnp.sum(x * x, axis=1, keepdims=True)), 1e-12)
    g1 = g_ref[0:_B, 0:_D]
    g2 = g_ref[_B:_NG, 0:_D]
    tdot = jnp.sum(xn * g1, axis=1, keepdims=True) / _TEMP
    loss_ce = jnp.mean(lse_ref[...] - tdot)
    b = b_ref[...]
    bn = b / jnp.maximum(
        jnp.sqrt(jnp.sum(b * b, axis=1, keepdims=True)), 1e-12)
    diff = bn - g2
    loss_d = (0.007 / 0.3) * jnp.sqrt(jnp.sum(diff * diff))
    out_ref[0, 0] = loss_ce + loss_d


def _tc_lse(x, memt):
    return pl.pallas_call(
        _lse_kernel,
        grid=(_NB,),
        in_specs=[
            pl.BlockSpec((_B, _D), lambda i: (0, 0)),
            pl.BlockSpec((_D, _CHUNK), lambda i: (0, i)),
        ],
        out_specs=[
            pl.BlockSpec((_B, 1), lambda i: (0, 0)),
            pl.BlockSpec((_CHUNK, 2 * _D), lambda i: (i, 0)),
        ],
        out_shape=[
            jax.ShapeDtypeStruct((_B, 1), jnp.float32),
            jax.ShapeDtypeStruct((_K, 2 * _D), jnp.float32),
        ],
        scratch_shapes=[
            pltpu.VMEM((_B, _D), jnp.float32),
            pltpu.VMEM((_B, 1), jnp.float32),
            pltpu.VMEM((_B, 1), jnp.float32),
        ],
        compiler_params=pltpu.CompilerParams(
            fuse_transposed_lhs_in_matmul=True,
            vmem_limit_bytes=100 * 1024 * 1024),
    )(x, memt)


def _tc_combine(x, b, g, lse):
    return pl.pallas_call(
        _combine_kernel,
        in_specs=[
            pl.BlockSpec((_B, _D), lambda: (0, 0)),
            pl.BlockSpec((_B, _D), lambda: (0, 0)),
            pl.BlockSpec((_NG, 2 * _D), lambda: (0, 0)),
            pl.BlockSpec((_B, 1), lambda: (0, 0)),
        ],
        out_specs=pl.BlockSpec(memory_space=pltpu.SMEM),
        out_shape=jax.ShapeDtypeStruct((1, 1), jnp.float32),
    )(x, b, g, lse)


def kernel(backbone_inputs, inputs, targets, memory_features):
    idx = jnp.concatenate([targets, jnp.repeat(targets[: _B // 4], 4)])
    lse, mem_pad = _tc_lse(inputs, memory_features.T)
    g = _gather_rows(mem_pad, idx)
    loss = _tc_combine(inputs, backbone_inputs, g, lse)
    return loss[0, 0]

# --- scband reference (transcript-rebuilt; emitter-appended) ---
"""Pipeline reference for scband-memory-bank-net-46866683134497 (READ-ONLY COPY).

The authoritative reference and input builder live on the scoring server;
editing this copy changes nothing except your own understanding.
"""

import jax, jax.numpy as jnp
import numpy as np

B = 1024
D = 64
K = 100000
TEMP = 0.05


def _normalize(x):
    n = jnp.linalg.norm(x, axis=1, keepdims=True)
    return x / jnp.maximum(n, 1e-12)


def setup_inputs(seed: int = 0) -> dict:
    key = jax.random.key(seed)
    k1, k2, k3, k4 = jax.random.split(key, 4)
    backbone_inputs = jax.random.normal(k1, (B, D), dtype=jnp.float32)
    inputs = jax.random.normal(k2, (B, D), dtype=jnp.float32)
    targets = jax.random.randint(k3, (B,), 0, K, dtype=jnp.int32)
    memory_features = jax.random.normal(k4, (K, D), dtype=jnp.float32)
    return {
        'backbone_inputs': backbone_inputs,
        'inputs': inputs,
        'targets': targets,
        'memory_features': memory_features,
    }


def reference(backbone_inputs, inputs, targets, memory_features):
    # F.normalize(dim=1)
    inputs_n = _normalize(inputs)
    backbone_n = _normalize(backbone_inputs)
    # CM.apply: outputs = inputs @ features.T ; custom backward treats features
    # as a constant (grad only to inputs), so stop_gradient on features here.
    feats_const = jax.lax.stop_gradient(memory_features)
    outputs = inputs_n @ feats_const.T
    outputs = outputs / TEMP
    # contrastLoss: for i in range(B//4): new_f2[i*4:i*4+4] = memory_features[targets[i]]
    sel = jnp.take(memory_features, targets[: B // 4], axis=0)  # [B//4, D]
    new_features_2 = jnp.repeat(sel, 4, axis=0)  # [B, D]
    loss_distill = (0.007 / 0.3) * jnp.linalg.norm(backbone_n - new_features_2)
    # cross entropy with mean reduction
    logp = jax.nn.log_softmax(outputs, axis=1)
    nll = -jnp.take_along_axis(logp, targets[:, None].astype(jnp.int32), axis=1)[:, 0]
    loss_ce = jnp.mean(nll)
    return loss_ce + loss_distill

if __name__ == "__main__":
    import jax
    _d = setup_inputs()
    print(jax.jit(kernel)(*tuple(_d.values())))

</pallas_src>

<mosaic_0001>
#map = affine_map<(d0, d1) -> (0, 0)>
#map1 = affine_map<(d0, d1) -> (0)>
module attributes {stable_mosaic.version = 14 : i64} {
  func.func @gath(%arg0: i32, %arg1: i32, %arg2: memref<100000x128xf32, #tpu.memory_space<hbm>>, %arg3: memref<2048xi32, #tpu.memory_space<hbm>>, %arg4: memref<2048x128xf32, #tpu.memory_space<hbm>>, %arg5: memref<64xi32, #tpu.memory_space<vmem>>, %arg6: memref<64x128xf32, #tpu.memory_space<vmem>>, %arg7: memref<!tpu.dma_semaphore, #tpu.memory_space<semaphore_mem>>) attributes {dimension_semantics = [#tpu.dimension_semantics<core_parallel>, #tpu.dimension_semantics<subcore_parallel>], iteration_bounds = array<i64: 2, 16>, scalar_prefetch = 0 : i64, scratch_operands = 3 : i64, tpu.core_type = #tpu.core_type<sc_vector_subcore>, window_params = [{transform_indices = #map}, {transform_indices = #map1}, {transform_indices = #map}]} {
    %mul3A = arith.constant 2 : i32
    %mul3A_0 = arith.muli %arg1, %mul3A : i32
    %add3A = arith.addi %mul3A_0, %arg0 : i32
    %mul3A_1 = arith.constant 64 : i32
    %mul3A_2 = arith.muli %add3A, %mul3A_1 : i32
    "tpu.region"() ({
      %run_scoped3A = tpu.sem_alloc : memref<!tpu.dma_semaphore, #tpu.memory_space<semaphore_mem>>
      %dma_start3A_7 = tpu.memref_slice %arg3[%mul3A_2] : memref<2048xi32, #tpu.memory_space<hbm>> -> memref<64xi32, #tpu.memory_space<hbm>>
      %dma_start3A_8 = tpu.memref_slice %arg3[%mul3A_2] : memref<2048xi32, #tpu.memory_space<hbm>> -> memref<64xi32, #tpu.memory_space<hbm>>
      tpu.enqueue_dma source(%dma_start3A_8 : memref<64xi32, #tpu.memory_space<hbm>>) target(%arg5 : memref<64xi32, #tpu.memory_space<vmem>>) target_semaphore(%run_scoped3A : memref<!tpu.dma_semaphore, #tpu.memory_space<semaphore_mem>>)
      %dma_wait3A_9 = tpu.memref_slice %arg3[%mul3A_2] : memref<2048xi32, #tpu.memory_space<hbm>> -> memref<64xi32, #tpu.memory_space<hbm>>
      %dma_wait3A_10 = tpu.memref_slice %arg3[%mul3A_2] : memref<2048xi32, #tpu.memory_space<hbm>> -> memref<64xi32, #tpu.memory_space<hbm>>
      tpu.wait_dma2 semaphore(%run_scoped3A : memref<!tpu.dma_semaphore, #tpu.memory_space<semaphore_mem>>) src(%dma_wait3A_10 : memref<64xi32, #tpu.memory_space<hbm>>) dst(%arg5 : memref<64xi32, #tpu.memory_space<vmem>>)
      tpu.yield
    }) : () -> ()
    %dma_start3A = arith.constant 0 : i32
    %dma_start3A_3 = arith.constant 0 : i32
    %dma_start3A_4 = tpu.memref_slice %arg2[%dma_start3A, %dma_start3A_3] : memref<100000x128xf32, #tpu.memory_space<hbm>> -> memref<100000x128xf32, #tpu.memory_space<hbm>>
    tpu.enqueue_indirect_dma source(%dma_start3A_4 : memref<100000x128xf32, #tpu.memory_space<hbm>>) target(%arg6 : memref<64x128xf32, #tpu.memory_space<vmem>>) offsets(%arg5 : memref<64xi32, #tpu.memory_space<vmem>>) semaphore(%arg7 : memref<!tpu.dma_semaphore, #tpu.memory_space<semaphore_mem>>)
    %dma_wait3A = arith.constant 0 : i32
    %dma_wait3A_5 = arith.constant 0 : i32
    %dma_wait3A_6 = tpu.memref_slice %arg2[%dma_wait3A, %dma_wait3A_5] : memref<100000x128xf32, #tpu.memory_space<hbm>> -> memref<100000x128xf32, #tpu.memory_space<hbm>>
    tpu.wait_indirect_dma semaphore(%arg7 : memref<!tpu.dma_semaphore, #tpu.memory_space<semaphore_mem>>) src(%dma_wait3A_6 : memref<100000x128xf32, #tpu.memory_space<hbm>>) dst(%arg6 : memref<64x128xf32, #tpu.memory_space<vmem>>)
    "tpu.region"() ({
      %run_scoped3A = tpu.sem_alloc : memref<!tpu.dma_semaphore, #tpu.memory_space<semaphore_mem>>
      %dma_start3A_7 = arith.constant 0 : i32
      %dma_start3A_8 = tpu.memref_slice %arg4[%mul3A_2, %dma_start3A_7] : memref<2048x128xf32, #tpu.memory_space<hbm>> -> memref<64x128xf32, #tpu.memory_space<hbm>>
      %dma_start3A_9 = arith.constant 0 : i32
      %dma_start3A_10 = tpu.memref_slice %arg4[%mul3A_2, %dma_start3A_9] : memref<2048x128xf32, #tpu.memory_space<hbm>> -> memref<64x128xf32, #tpu.memory_space<hbm>>
      tpu.enqueue_dma source(%arg6 : memref<64x128xf32, #tpu.memory_space<vmem>>) target(%dma_start3A_10 : memref<64x128xf32, #tpu.memory_space<hbm>>) target_semaphore(%run_scoped3A : memref<!tpu.dma_semaphore, #tpu.memory_space<semaphore_mem>>)
      %dma_wait3A_11 = arith.constant 0 : i32
      %dma_wait3A_12 = tpu.memref_slice %arg4[%mul3A_2, %dma_wait3A_11] : memref<2048x128xf32, #tpu.memory_space<hbm>> -> memref<64x128xf32, #tpu.memory_space<hbm>>
      %dma_wait3A_13 = arith.constant 0 : i32
      %dma_wait3A_14 = tpu.memref_slice %arg4[%mul3A_2, %dma_wait3A_13] : memref<2048x128xf32, #tpu.memory_space<hbm>> -> memref<64x128xf32, #tpu.memory_space<hbm>>
      tpu.wait_dma2 semaphore(%run_scoped3A : memref<!tpu.dma_semaphore, #tpu.memory_space<semaphore_mem>>) src(%arg6 : memref<64x128xf32, #tpu.memory_space<vmem>>) dst(%dma_wait3A_14 : memref<64x128xf32, #tpu.memory_space<hbm>>)
      tpu.yield
    }) : () -> ()
    return
  }
}

module attributes {stable_mosaic.version = 14 : i64} {
  func.func @_combine_kernel(%arg0: memref<1024x64xf32, #tpu.memory_space<vmem>>, %arg1: memref<1024x64xf32, #tpu.memory_space<vmem>>, %arg2: memref<2048x128xf32, #tpu.memory_space<vmem>>, %arg3: memref<1024x1xf32, #tpu.memory_space<vmem>>, %arg4: memref<1x1xf32, #tpu.memory_space<smem>>) attributes {dimension_semantics = [], scalar_prefetch = 0 : i64, scratch_operands = 0 : i64, tpu.core_type = #tpu.core_type<tc>} {
    %get3A = arith.constant 0 : index
    %get3A_0 = arith.constant 0 : index
    %get3A_1 = vector.load %arg0[%get3A, %get3A_0] : memref<1024x64xf32, #tpu.memory_space<vmem>>, vector<1024x64xf32>
    %mul3A = arith.mulf %get3A_1, %get3A_1 : vector<1024x64xf32>
    %reduce_sum3A = arith.constant dense<0.000000e+00> : vector<1024xf32>
    %reduce_sum3A_2 = vector.multi_reduction <add>, %mul3A, %reduce_sum3A [1] : vector<1024x64xf32> to vector<1024xf32>
    %broadcast_in_dim3A = vector.shape_cast %reduce_sum3A_2 : vector<1024xf32> to vector<1024x1xf32>
    %sqrt3A = math.sqrt %broadcast_in_dim3A : vector<1024x1xf32>
    %max3A = arith.constant 9.99999996E-13 : f32
    %max3A_3 = vector.broadcast %max3A : f32 to vector<1024x1xf32>
    %max3A_4 = arith.maximumf %sqrt3A, %max3A_3 : vector<1024x1xf32>
    %div3A = vector.broadcast %max3A_4 : vector<1024x1xf32> to vector<1024x64xf32>
    %div3A_5 = arith.divf %get3A_1, %div3A : vector<1024x64xf32>
    %get3A_6 = arith.constant 0 : index
    %get3A_7 = arith.constant 0 : index
    %get3A_8 = vector.load %arg2[%get3A_6, %get3A_7] : memref<2048x128xf32, #tpu.memory_space<vmem>>, vector<1024x64xf32>
    %get3A_9 = arith.constant 1024 : index
    %get3A_10 = arith.constant 0 : index
    %get3A_11 = vector.load %arg2[%get3A_9, %get3A_10] : memref<2048x128xf32, #tpu.memory_space<vmem>>, vector<1024x64xf32>
    %mul3A_12 = arith.mulf %div3A_5, %get3A_8 : vector<1024x64xf32>
    %reduce_sum3A_13 = arith.constant dense<0.000000e+00> : vector<1024xf32>
    %reduce_sum3A_14 = vector.multi_reduction <add>, %mul3A_12, %reduce_sum3A_13 [1] : vector<1024x64xf32> to vector<1024xf32>
    %broadcast_in_dim3A_15 = vector.shape_cast %reduce_sum3A_14 : vector<1024xf32> to vector<1024x1xf32>
    %div3A_16 = arith.constant 5.000000e-02 : f32
    %div3A_17 = vector.broadcast %div3A_16 : f32 to vector<1024x1xf32>
    %div3A_18 = arith.divf %broadcast_in_dim3A_15, %div3A_17 : vector<1024x1xf32>
    %get3A_19 = arith.constant 0 : index
    %get3A_20 = arith.constant 0 : index
    %get3A_21 = vector.load %arg3[%get3A_19, %get3A_20] : memref<1024x1xf32, #tpu.memory_space<vmem>>, vector<1024x1xf32>
    %sub3A = arith.subf %get3A_21, %div3A_18 : vector<1024x1xf32>
    %reduce_sum3A_22 = vector.shape_cast %sub3A : vector<1024x1xf32> to vector<1x1024x1xf32>
    %reduce_sum3A_23 = arith.constant dense<0.000000e+00> : vector<1xf32>
    %reduce_sum3A_24 = vector.multi_reduction <add>, %reduce_sum3A_22, %reduce_sum3A_23 [1, 2] : vector<1x1024x1xf32> to vector<1xf32>
    %reduce_sum3A_25 = vector.shape_cast %reduce_sum3A_24 : vector<1xf32> to vector<1x1x1xf32>
    %reduce_sum3A_26 = vector.extract %reduce_sum3A_25[0, 0, 0] : f32 from vector<1x1x1xf32>
    %div3A_27 = arith.constant 1.024000e+03 : f32
    %div3A_28 = arith.divf %reduce_sum3A_26, %div3A_27 : f32
    %get3A_29 = arith.constant 0 : index
    %get3A_30 = arith.constant 0 : index
    %get3A_31 = vector.load %arg1[%get3A_29, %get3A_30] : memref<1024x64xf32, #tpu.memory_space<vmem>>, vector<1024x64xf32>
    %mul3A_32 = arith.mulf %get3A_31, %get3A_31 : vector<1024x64xf32>
    %reduce_sum3A_33 = arith.constant dense<0.000000e+00> : vector<1024xf32>
    %reduce_sum3A_34 = vector.multi_reduction <add>, %mul3A_32, %reduce_sum3A_33 [1] : vector<1024x64xf32> to vector<1024xf32>
    %broadcast_in_dim3A_35 = vector.shape_cast %reduce_sum3A_34 : vector<1024xf32> to vector<1024x1xf32>
    %sqrt3A_36 = math.sqrt %broadcast_in_dim3A_35 : vector<1024x1xf32>
    %max3A_37 = arith.constant 9.99999996E-13 : f32
    %max3A_38 = vector.broadcast %max3A_37 : f32 to vector<1024x1xf32>
    %max3A_39 = arith.maximumf %sqrt3A_36, %max3A_38 : vector<1024x1xf32>
    %div3A_40 = vector.broadcast %max3A_39 : vector<1024x1xf32> to vector<1024x64xf32>
    %div3A_41 = arith.divf %get3A_31, %div3A_40 : vector<1024x64xf32>
    %sub3A_42 = arith.subf %div3A_41, %get3A_11 : vector<1024x64xf32>
    %mul3A_43 = arith.mulf %sub3A_42, %sub3A_42 : vector<1024x64xf32>
    %reduce_sum3A_44 = vector.shape_cast %mul3A_43 : vector<1024x64xf32> to vector<1x1024x64xf32>
    %reduce_sum3A_45 = arith.constant dense<0.000000e+00> : vector<1xf32>
    %reduce_sum3A_46 = vector.multi_reduction <add>, %reduce_sum3A_44, %reduce_sum3A_45 [1, 2] : vector<1x1024x64xf32> to vector<1xf32>
    %reduce_sum3A_47 = vector.shape_cast %reduce_sum3A_46 : vector<1xf32> to vector<1x1x1xf32>
    %reduce_sum3A_48 = vector.extract %reduce_sum3A_47[0, 0, 0] : f32 from vector<1x1x1xf32>
    %sqrt3A_49 = math.sqrt %reduce_sum3A_48 : f32
    %mul3A_50 = arith.constant 0.0233333334 : f32
    %mul3A_51 = arith.mulf %mul3A_50, %sqrt3A_49 : f32
    %add3A = arith.addf %div3A_28, %mul3A_51 : f32
    %swap3A = arith.constant 0 : index
    %swap3A_52 = arith.constant 0 : index
    %swap3A_53 = memref.load %arg4[%swap3A, %swap3A_52] : memref<1x1xf32, #tpu.memory_space<smem>>
    memref.store %add3A, %arg4[%swap3A, %swap3A_52] : memref<1x1xf32, #tpu.memory_space<smem>>
    return
  }
}

module attributes {stable_mosaic.version = 14 : i64} {
  func.func @_lse_kernel(%arg0: i32, %arg1: memref<1024x64xf32, #tpu.memory_space<vmem>>, %arg2: memref<64x8192xf32, #tpu.memory_space<vmem>>, %arg3: memref<1024x1xf32, #tpu.memory_space<vmem>>, %arg4: memref<8192x128xf32, #tpu.memory_space<vmem>>, %arg5: memref<1024x64xf32, #tpu.memory_space<vmem>>, %arg6: memref<1024x1xf32, #tpu.memory_space<vmem>>, %arg7: memref<1024x1xf32, #tpu.memory_space<vmem>>) attributes {dimension_semantics = [#tpu.dimension_semantics<arbitrary>], iteration_bounds = array<i64: 13>, scalar_prefetch = 0 : i64, scratch_operands = 3 : i64, tpu.core_type = #tpu.core_type<tc>, window_params = [{pipeline_mode = #tpu.pipeline_mode<synchronous>, transform_indices = @transform_0, window_bounds = array<i64: 1024, 64>}, {transform_indices = @transform_1, window_bounds = array<i64: 64, 8192>}, {pipeline_mode = #tpu.pipeline_mode<synchronous>, transform_indices = @transform_2, window_bounds = array<i64: 1024, 1>}, {transform_indices = @transform_3, window_bounds = array<i64: 8192, 128>}]} {
    %eq3A = arith.constant 0 : i32
    %eq3A_0 = arith.cmpi eq, %arg0, %eq3A : i32
    %convert_element_type3A = arith.extui %eq3A_0 : i1 to i32
    %cond3A = arith.constant 0 : i32
    %cond3A_1 = arith.cmpi ne, %convert_element_type3A, %cond3A : i32
    scf.if %cond3A_1 {
      %get3A_24 = arith.constant 0 : index
      %get3A_25 = arith.constant 0 : index
      %get3A_26 = vector.load %arg1[%get3A_24, %get3A_25] : memref<1024x64xf32, #tpu.memory_space<vmem>>, vector<1024x64xf32>
      %mul3A = arith.mulf %get3A_26, %get3A_26 : vector<1024x64xf32>
      %reduce_sum3A = arith.constant dense<0.000000e+00> : vector<1024xf32>
      %reduce_sum3A_27 = vector.multi_reduction <add>, %mul3A, %reduce_sum3A [1] : vector<1024x64xf32> to vector<1024xf32>
      %broadcast_in_dim3A = vector.shape_cast %reduce_sum3A_27 : vector<1024xf32> to vector<1024x1xf32>
      %sqrt3A = math.sqrt %broadcast_in_dim3A : vector<1024x1xf32>
      %mul3A_28 = arith.constant 2.885390e+01 : f32
      %mul3A_29 = vector.broadcast %mul3A_28 : f32 to vector<1024x64xf32>
      %mul3A_30 = arith.mulf %get3A_26, %mul3A_29 : vector<1024x64xf32>
      %max3A = arith.constant 9.99999996E-13 : f32
      %max3A_31 = vector.broadcast %max3A : f32 to vector<1024x1xf32>
      %max3A_32 = arith.maximumf %sqrt3A, %max3A_31 : vector<1024x1xf32>
      %div3A = vector.broadcast %max3A_32 : vector<1024x1xf32> to vector<1024x64xf32>
      %div3A_33 = arith.divf %mul3A_30, %div3A : vector<1024x64xf32>
      %swap3A_34 = arith.constant 0 : index
      %swap3A_35 = arith.constant 0 : index
      %swap3A_36 = vector.load %arg5[%swap3A_34, %swap3A_35] : memref<1024x64xf32, #tpu.memory_space<vmem>>, vector<1024x64xf32>
      tpu.vector_store %arg5[%swap3A_34, %swap3A_35], %div3A_33 {strides = array<i32>} : memref<1024x64xf32, #tpu.memory_space<vmem>>, vector<1024x64xf32>,
      %broadcast_in_dim3A_37 = arith.constant -1.000000e+30 : f32
      %broadcast_in_dim3A_38 = vector.broadcast %broadcast_in_dim3A_37 : f32 to vector<1024x1xf32>
      %swap3A_39 = arith.constant 0 : index
      %swap3A_40 = arith.constant 0 : index
      %swap3A_41 = vector.load %arg6[%swap3A_39, %swap3A_40] : memref<1024x1xf32, #tpu.memory_space<vmem>>, vector<1024x1xf32>
      tpu.vector_store %arg6[%swap3A_39, %swap3A_40], %broadcast_in_dim3A_38 {strides = array<i32>} : memref<1024x1xf32, #tpu.memory_space<vmem>>, vector<1024x1xf32>,
      %broadcast_in_dim3A_42 = arith.constant 0.000000e+00 : f32
      %broadcast_in_dim3A_43 = vector.broadcast %broadcast_in_dim3A_42 : f32 to vector<1024x1xf32>
      %swap3A_44 = arith.constant 0 : index
      %swap3A_45 = arith.constant 0 : index
      %swap3A_46 = vector.load %arg7[%swap3A_44, %swap3A_45] : memref<1024x1xf32, #tpu.memory_space<vmem>>, vector<1024x1xf32>
      tpu.vector_store %arg7[%swap3A_44, %swap3A_45], %broadcast_in_dim3A_43 {strides = array<i32>} : memref<1024x1xf32, #tpu.memory_space<vmem>>, vector<1024x1xf32>,
    } else {
    }
    %get3A = arith.constant 0 : index
    %get3A_2 = arith.constant 0 : index
    %get3A_3 = vector.load %arg2[%get3A, %get3A_2] : memref<64x8192xf32, #tpu.memory_space<vmem>>, vector<64x8192xf32>
    %transpose3A = tpu.transpose %get3A_3, [1, 0] : vector<64x8192xf32> -> vector<8192x64xf32>
    %swap3A = arith.constant 0 : index
    %swap3A_4 = arith.constant 0 : index
    %swap3A_5 = vector.load %arg4[%swap3A, %swap3A_4] : memref<8192x128xf32, #tpu.memory_space<vmem>>, vector<8192x64xf32>
    tpu.vector_store %arg4[%swap3A, %swap3A_4], %transpose3A {strides = array<i32>} : memref<8192x128xf32, #tpu.memory_space<vmem>>, vector<8192x64xf32>,
    %get3A_6 = arith.constant 0 : index
    %get3A_7 = arith.constant 0 : index
    %get3A_8 = vector.load %arg5[%get3A_6, %get3A_7] : memref<1024x64xf32, #tpu.memory_space<vmem>>, vector<1024x64xf32>
    %dot_general3A = arith.constant dense<0.000000e+00> : vector<1024x8192xf32>
    %dot_general3A_9 = tpu.matmul %get3A_8, %get3A_3, %dot_general3A {dimension_numbers = #tpu.dot_dimension_numbers<[1], [0], [0], [1], [0, 0, 1, 1], [], []>, transpose_lhs_hint = false} : vector<1024x64xf32>, vector<64x8192xf32>, vector<1024x8192xf32> -> vector<1024x8192xf32>
    %lt3A = arith.constant 12 : i32
    %lt3A_10 = arith.cmpi slt, %arg0, %lt3A : i32
    %convert_element_type3A_11 = arith.extui %lt3A_10 : i1 to i32
    %cond3A_12 = arith.constant 0 : i32
    %cond3A_13 = arith.cmpi ne, %convert_element_type3A_11, %cond3A_12 : i32
    scf.if %cond3A_13 {
      %reduce_max3A = arith.constant dense<0xFF800000> : vector<1024xf32>
      %reduce_max3A_24 = vector.multi_reduction <maximumf>, %dot_general3A_9, %reduce_max3A [1] : vector<1024x8192xf32> to vector<1024xf32>
      %broadcast_in_dim3A = vector.shape_cast %reduce_max3A_24 : vector<1024xf32> to vector<1024x1xf32>
      %get3A_25 = arith.constant 0 : index
      %get3A_26 = arith.constant 0 : index
      %get3A_27 = vector.load %arg6[%get3A_25, %get3A_26] : memref<1024x1xf32, #tpu.memory_space<vmem>>, vector<1024x1xf32>
      %max3A = arith.maximumf %get3A_27, %broadcast_in_dim3A : vector<1024x1xf32>
      %sub3A = vector.broadcast %max3A : vector<1024x1xf32> to vector<1024x8192xf32>
      %sub3A_28 = arith.subf %dot_general3A_9, %sub3A : vector<1024x8192xf32>
      %exp23A = math.exp2 %sub3A_28 : vector<1024x8192xf32>
      %reduce_sum3A = arith.constant dense<0.000000e+00> : vector<1024xf32>
      %reduce_sum3A_29 = vector.multi_reduction <add>, %exp23A, %reduce_sum3A [1] : vector<1024x8192xf32> to vector<1024xf32>
      %broadcast_in_dim3A_30 = vector.shape_cast %reduce_sum3A_29 : vector<1024xf32> to vector<1024x1xf32>
      %get3A_31 = arith.constant 0 : index
      %get3A_32 = arith.constant 0 : index
      %get3A_33 = vector.load %arg7[%get3A_31, %get3A_32] : memref<1024x1xf32, #tpu.memory_space<vmem>>, vector<1024x1xf32>
      %sub3A_34 = arith.subf %get3A_27, %max3A : vector<1024x1xf32>
      %exp23A_35 = math.exp2 %sub3A_34 : vector<1024x1xf32>
      %mul3A = arith.mulf %get3A_33, %exp23A_35 : vector<1024x1xf32>
      %add3A = arith.addf %mul3A, %broadcast_in_dim3A_30 : vector<1024x1xf32>
      %swap3A_36 = arith.constant 0 : index
      %swap3A_37 = arith.constant 0 : index
      %swap3A_38 = vector.load %arg7[%swap3A_36, %swap3A_37] : memref<1024x1xf32, #tpu.memory_space<vmem>>, vector<1024x1xf32>
      tpu.vector_store %arg7[%swap3A_36, %swap3A_37], %add3A {strides = array<i32>} : memref<1024x1xf32, #tpu.memory_space<vmem>>, vector<1024x1xf32>,
      %swap3A_39 = arith.constant 0 : index
      %swap3A_40 = arith.constant 0 : index
      %swap3A_41 = vector.load %arg6[%swap3A_39, %swap3A_40] : memref<1024x1xf32, #tpu.memory_space<vmem>>, vector<1024x1xf32>
      tpu.vector_store %arg6[%swap3A_39, %swap3A_40], %max3A {strides = array<i32>} : memref<1024x1xf32, #tpu.memory_space<vmem>>, vector<1024x1xf32>,
    } else {
    }
    %eq3A_14 = arith.constant 12 : i32
    %eq3A_15 = arith.cmpi eq, %arg0, %eq3A_14 : i32
    %convert_element_type3A_16 = arith.extui %eq3A_15 : i1 to i32
    %cond3A_17 = arith.constant 0 : i32
    %cond3A_18 = arith.cmpi ne, %convert_element_type3A_16, %cond3A_17 : i32
    scf.if %cond3A_18 {
      %iota3A = tpu.iota {dimensions = array<i32: 1>} : vector<1024x8192xi32>
      %lt3A_24 = arith.constant 1696 : i32
      %lt3A_25 = vector.broadcast %lt3A_24 : i32 to vector<1024x8192xi32>
      %lt3A_26 = arith.cmpi slt, %iota3A, %lt3A_25 : vector<1024x8192xi32>
      %jit3A = arith.constant -1.000000e+30 : f32
      %broadcast_in_dim3A = vector.broadcast %jit3A : f32 to vector<1024x8192xf32>
      %select_n3A = arith.select %lt3A_26, %dot_general3A_9, %broadcast_in_dim3A : vector<1024x8192xi1>, vector<1024x8192xf32>
      %reduce_max3A = arith.constant dense<0xFF800000> : vector<1024xf32>
      %reduce_max3A_27 = vector.multi_reduction <maximumf>, %select_n3A, %reduce_max3A [1] : vector<1024x8192xf32> to vector<1024xf32>
      %broadcast_in_dim3A_28 = vector.shape_cast %reduce_max3A_27 : vector<1024xf32> to vector<1024x1xf32>
      %get3A_29 = arith.constant 0 : index
      %get3A_30 = arith.constant 0 : index
      %get3A_31 = vector.load %arg6[%get3A_29, %get3A_30] : memref<1024x1xf32, #tpu.memory_space<vmem>>, vector<1024x1xf32>
      %max3A = arith.maximumf %get3A_31, %broadcast_in_dim3A_28 : vector<1024x1xf32>
      %sub3A = vector.broadcast %max3A : vector<1024x1xf32> to vector<1024x8192xf32>
      %sub3A_32 = arith.subf %select_n3A, %sub3A : vector<1024x8192xf32>
      %exp23A = math.exp2 %sub3A_32 : vector<1024x8192xf32>
      %reduce_sum3A = arith.constant dense<0.000000e+00> : vector<1024xf32>
      %reduce_sum3A_33 = vector.multi_reduction <add>, %exp23A, %reduce_sum3A [1] : vector<1024x8192xf32> to vector<1024xf32>
      %broadcast_in_dim3A_34 = vector.shape_cast %reduce_sum3A_33 : vector<1024xf32> to vector<1024x1xf32>
      %get3A_35 = arith.constant 0 : index
      %get3A_36 = arith.constant 0 : index
      %get3A_37 = vector.load %arg7[%get3A_35, %get3A_36] : memref<1024x1xf32, #tpu.memory_space<vmem>>, vector<1024x1xf32>
      %sub3A_38 = arith.subf %get3A_31, %max3A : vector<1024x1xf32>
      %exp23A_39 = math.exp2 %sub3A_38 : vector<1024x1xf32>
      %mul3A = arith.mulf %get3A_37, %exp23A_39 : vector<1024x1xf32>
      %add3A = arith.addf %mul3A, %broadcast_in_dim3A_34 : vector<1024x1xf32>
      %swap3A_40 = arith.constant 0 : index
      %swap3A_41 = arith.constant 0 : index
      %swap3A_42 = vector.load %arg7[%swap3A_40, %swap3A_41] : memref<1024x1xf32, #tpu.memory_space<vmem>>, vector<1024x1xf32>
      tpu.vector_store %arg7[%swap3A_40, %swap3A_41], %add3A {strides = array<i32>} : memref<1024x1xf32, #tpu.memory_space<vmem>>, vector<1024x1xf32>,
      %swap3A_43 = arith.constant 0 : index
      %swap3A_44 = arith.constant 0 : index
      %swap3A_45 = vector.load %arg6[%swap3A_43, %swap3A_44] : memref<1024x1xf32, #tpu.memory_space<vmem>>, vector<1024x1xf32>
      tpu.vector_store %arg6[%swap3A_43, %swap3A_44], %max3A {strides = array<i32>} : memref<1024x1xf32, #tpu.memory_space<vmem>>, vector<1024x1xf32>,
    } else {
    }
    %eq3A_19 = arith.constant 12 : i32
    %eq3A_20 = arith.cmpi eq, %arg0, %eq3A_19 : i32
    %convert_element_type3A_21 = arith.extui %eq3A_20 : i1 to i32
    %cond3A_22 = arith.constant 0 : i32
    %cond3A_23 = arith.cmpi ne, %convert_element_type3A_21, %cond3A_22 : i32
    scf.if %cond3A_23 {
      %get3A_24 = arith.constant 0 : index
      %get3A_25 = arith.constant 0 : index
      %get3A_26 = vector.load %arg6[%get3A_24, %get3A_25] : memref<1024x1xf32, #tpu.memory_space<vmem>>, vector<1024x1xf32>
      %mul3A = arith.constant 0.693147182 : f32
      %mul3A_27 = vector.broadcast %mul3A : f32 to vector<1024x1xf32>
      %mul3A_28 = arith.mulf %get3A_26, %mul3A_27 : vector<1024x1xf32>
      %get3A_29 = arith.constant 0 : index
      %get3A_30 = arith.constant 0 : index
      %get3A_31 = vector.load %arg7[%get3A_29, %get3A_30] : memref<1024x1xf32, #tpu.memory_space<vmem>>, vector<1024x1xf32>
      %log3A = math.log %get3A_31 : vector<1024x1xf32>
      %add3A = arith.addf %mul3A_28, %log3A : vector<1024x1xf32>
      %swap3A_32 = arith.constant 0 : index
      %swap3A_33 = arith.constant 0 : index
      %swap3A_34 = vector.load %arg3[%swap3A_32, %swap3A_33] : memref<1024x1xf32, #tpu.memory_space<vmem>>, vector<1024x1xf32>
      tpu.vector_store %arg3[%swap3A_32, %swap3A_33], %add3A {strides = array<i32>} : memref<1024x1xf32, #tpu.memory_space<vmem>>, vector<1024x1xf32>,
    } else {
    }
    return
  }
  func.func @transform_0(%arg0: i32) -> (i32, i32) {
    %c0_i32 = arith.constant 0 : i32
    %c0_i32_0 = arith.constant 0 : i32
    %c0_i32_1 = arith.constant 0 : i32
    return %c0_i32, %c0_i32_0 : i32, i32
  }
  func.func @transform_1(%arg0: i32) -> (i32, i32) {
    %c0_i32 = arith.constant 0 : i32
    %c0_i32_0 = arith.constant 0 : i32
    return %c0_i32, %arg0 : i32, i32
  }
  func.func @transform_2(%arg0: i32) -> (i32, i32) {
    %c0_i32 = arith.constant 0 : i32
    %c0_i32_0 = arith.constant 0 : i32
    %c0_i32_1 = arith.constant 0 : i32
    return %c0_i32, %c0_i32_0 : i32, i32
  }
  func.func @transform_3(%arg0: i32) -> (i32, i32) {
    %c0_i32 = arith.constant 0 : i32
    %c0_i32_0 = arith.constant 0 : i32
    return %arg0, %c0_i32 : i32, i32
  }
}

</mosaic_0001>

<sc_bundles>
// kernel: kernel.5.cloned.1.call-start
scs
__scs_entry_jumppad:
0x0: {  	(pc) =	sbr.rel $0x88, $3  }
0x1: {  	(tag) =	ssettag $0x0;
	lr =	simm.s32 $0x1  }
0x2: {  	[smem:$0x3F9D] =	sst lr;
	_ =	strace $0xD0000000  }
0x3: {  	_ = 	snop  }
0x4: {  	_ = 	snop  }
0x5: {  	_ = 	snop  }
0x6: {  	_ = 	snop  }
0x7: {  	_ = 	snop  }
__scs_overlays_trampoline_lowered:
0x8: {  	[smem:$0x3FAC] =	sst s0  }
0x9: {  	[smem:$0x3FAD] =	sst s1  }
0xa: {  	[smem:$0x3FAE] =	sst s2  }
0xb: {  	[smem:$0x3FAF] =	sst s3  }
0xc: {  	[smem:$0x3FB0] =	sst s4  }
0xd: {  	[smem:$0x3FB1] =	sst s5  }
0xe: {  	[smem:$0x3FB2] =	sst s6  }
0xf: {  	[smem:$0x3FB3] =	sst s7  }
0x10: {  	[smem:$0x3FB4] =	sst s8  }
0x11: {  	[smem:$0x3FB5] =	sst s9;
	s0 =	simm.s32 @!p0 $0x0  }
0x12: {  	s1 =	sld [smem:$0x3F9B];
	s0 =	simm.s32 @p0 $0x1  }
0x13: {  	[smem:$0x3FB6] =	sst s0;
	s0 =	simm.s32 @!p1 $0x0  }
0x14: {  	s2 =	sld [smem:$0x3F9A];
	s0 =	simm.s32 @p1 $0x1  }
0x15: {  	[smem:$0x3FB7] =	sst s0;
	s0 =	simm.s32 @!p2 $0x0  }
0x16: {  	s3 =	sld [smem:$0x3FDB];
	s0 =	simm.s32 @p2 $0x1  }
0x17: {  	s4 =	simm.s32 $0x1BF5;
	[smem:$0x3FB9] =	sst s0  }
0x18: {  	s0 =	sld [smem:$0x3F9C];
	_ =	swait.ge [sflag:s4], $0x0  }
0x19: {  	s7 =	sld [smem:$0x3F9D]  }
0x1a: {  	s8 =	sadd.s32 $0xFFFFE003, lr  }
0x1b: {  	s9 =	sadd.s32 $0xFFFFFEF7, lr;
	s5 =	simm.s32 $0xFFFFFFFF;
	p2 =	slt.u32 s8, $0xFFFFF086  }
0x1c: {  	p1 =	slt.u32 s9, $0xF7A;
	s5 =	simm.s32 @!p2 $0x0  }
0x1d: {  	s5 =	simm.s32 @p1 $0x1;
	p0 =	seq.s32 s7, s2  }
0x1e: {  	s7 =	smul.u32 @!p0 $0xF7A, s2;
	p2 =	seq.s32 @!p0 s5, $0x0  }
0x1f: {  	s9 =	smul.u32 $0xF7A, s1;
	s8 =	simm.s32 @!p0 $0x1BF5;
	p2 =	por !p2, p0  }
0x20: {  	[sflag:s8] =	ssyncset.s32 @!p0 $0xFFFFF086;
	s6 =	sadd.s32 @!p0 s3, s7;
	s7 =	simm.s32 @!p0 $0x108  }
0x21: {  	s3 =	sadd.s32 s3, s9;
	s6 =	sadd.s32 @!p0 $0x88, s6;
	s7 =	simm.s32 @p2 $0x1082  }
0x22: {  	[simem:s7], [sflag:s8] =	dma.local @!p0 [hbm:s6], $0xF7A  }
0x23: {  	s9 =	sor.u32 $0xD0000000, s2;
	s6 =	simm.s32 $0x108;
	_ =	swait.ge @!p0 [sflag:s8], $0x0  }
0x24: {  	s3 =	sadd.s32 $0x88, s3;
	s6 =	simm.s32 @!p1 $0x1082;
	[sflag:s4] =	ssyncset.s32 $0xFFFFF086  }
0x25: {  	[simem:s6], [sflag:s4] =	dma.local [hbm:s3], $0xF7A  }
0x26: {  	[smem:$0x3F9D] =	sst s1;
	(tag) =	ssettag s2;
	_ =	strace s9  }
0x27: {  	s1 =	sld [smem:$0x3FAD]  }
0x28: {  	s2 =	sld [smem:$0x3FAE]  }
0x29: {  	s4 =	sld [smem:$0x3FB0]  }
0x2a: {  	p0 =	seq.s32 s5, $0x0;
	s5 =	sld [smem:$0x3FB1]  }
0x2b: {  	s6 =	sld [smem:$0x3FB2]  }
0x2c: {  	s7 =	sld [smem:$0x3FB3]  }
0x2d: {  	s3 =	simm.s32 $0x108;
	s8 =	sld [smem:$0x3FB4]  }
0x2e: {  	s3 =	simm.s32 @!p0 $0x1082;
	s9 =	sld [smem:$0x3FB5]  }
0x2f: {  	lr =	sadd.s32 s0, s3;
	s0 =	sld [smem:$0x3FAC]  }
0x30: {  	s3 =	sld [smem:$0x3FAF]  }
0x31: {  	[smem:$0x3FB8] =	sst s10  }
0x32: {  	s10 =	sld [smem:$0x3FB6];
	_ =	sdelay $0x3  }
0x33: {  	p0 =	seq.s32 s10, $0x1;
	s10 =	sld [smem:$0x3FB8];
	_ =	sdelay $0x3  }
0x34: {  	[smem:$0x3FB8] =	sst s10  }
0x35: {  	s10 =	sld [smem:$0x3FB7];
	_ =	sdelay $0x3  }
0x36: {  	p1 =	seq.s32 s10, $0x1;
	s10 =	sld [smem:$0x3FB8];
	_ =	sdelay $0x3  }
0x37: {  	[smem:$0x3FB8] =	sst s10  }
0x38: {  	s10 =	sld [smem:$0x3FB9]  }
0x39: {  	_ = 	snop;
	(pc) =	sbr.ind lr, $3  }
0x3a: {  	_ = 	snop  }
0x3b: {  	_ = 	snop  }
0x3c: {  	p2 =	seq.s32 s10, $0x1;
	s10 =	sld [smem:$0x3FB8]  }
0x3d: {  	_ =	shalt  }
0x3e: {  	_ =	shalt  }
0x3f: {  	_ =	shalt  }
0x40: {  	_ =	shalt  }
0x41: {  	_ =	shalt  }
0x42: {  	_ =	shalt  }
0x43: {  	_ =	shalt  }
0x44: {  	_ =	shalt  }
0x45: {  	_ =	shalt  }
0x46: {  	_ =	shalt  }
0x47: {  	_ =	shalt  }
0x48: {  	_ =	shalt  }
0x49: {  	_ =	shalt  }
0x4a: {  	_ =	shalt  }
0x4b: {  	_ =	shalt  }
0x4c: {  	_ =	shalt  }
0x4d: {  	_ =	shalt  }
0x4e: {  	_ =	shalt  }
0x4f: {  	_ =	shalt  }
0x50: {  	_ =	shalt  }
0x51: {  	_ =	shalt  }
0x52: {  	_ =	shalt  }
0x53: {  	_ =	shalt  }
0x54: {  	_ =	shalt  }
0x55: {  	_ =	shalt  }
0x56: {  	_ =	shalt  }
0x57: {  	_ =	shalt  }
0x58: {  	_ =	shalt  }
0x59: {  	_ =	shalt  }
0x5a: {  	_ =	shalt  }
0x5b: {  	_ =	shalt  }
0x5c: {  	_ =	shalt  }
0x5d: {  	_ =	shalt  }
0x5e: {  	_ =	shalt  }
0x5f: {  	_ =	shalt  }
0x60: {  	_ =	shalt  }
0x61: {  	_ =	shalt  }
0x62: {  	_ =	shalt  }
0x63: {  	_ =	shalt  }
0x64: {  	_ =	shalt  }
0x65: {  	_ =	shalt  }
0x66: {  	_ =	shalt  }
0x67: {  	_ =	shalt  }
0x68: {  	_ =	shalt  }
0x69: {  	_ =	shalt  }
0x6a: {  	_ =	shalt  }
0x6b: {  	_ =	shalt  }
0x6c: {  	_ =	shalt  }
0x6d: {  	_ =	shalt  }
0x6e: {  	_ =	shalt  }
0x6f: {  	_ =	shalt  }
0x70: {  	_ =	shalt  }
0x71: {  	_ =	shalt  }
0x72: {  	_ =	shalt  }
0x73: {  	_ =	shalt  }
0x74: {  	_ =	shalt  }
0x75: {  	_ =	shalt  }
0x76: {  	_ =	shalt  }
0x77: {  	_ =	shalt  }
0x78: {  	_ =	shalt  }
0x79: {  	_ =	shalt  }
0x7a: {  	_ =	shalt  }
0x7b: {  	_ =	shalt  }
0x7c: {  	_ =	shalt  }
0x7d: {  	_ =	shalt  }
0x7e: {  	_ =	shalt  }
0x7f: {  	_ =	shalt  }
0x80: {  	_ =	shalt  }
0x81: {  	_ =	shalt  }
0x82: {  	_ =	shalt  }
0x83: {  	_ =	shalt  }
0x84: {  	_ =	shalt  }
0x85: {  	_ =	shalt  }
0x86: {  	_ =	shalt  }
0x87: {  	_ =	shalt  }
.Lfunc_end0:
.L_simem_size_0:
called_computation_lowered:
.L_overlay_start_0:
0x88: {  	s2 =	sld [smem:$0x3FD9]  }
0x89: {  	s3 =	sld [smem:$0x3FFE];
	_ =	sdelay $0x1  }
0x8a: {  	s1 =	srdreg.scid  }
0x8b: {  	s0 =	sand.u32 $0x1, s1  }
0x8c: {  	s16 =	sshll.u32 s0, $0xA;
	s2 =	sadd.s32 s3, s2  }
0x8d: {  	s2 =	sadd.s32 s2, s16  }
0x8e: {  	[smem:$0x3FC4] =	sst s2  }
0x8f: {  	_ = 	snop  }
0x90: {  	(tm) =	ssettm $0x1  }
0x91: {  	s17 =	sld [smem:$0x3FFB];
	_ =	sdelay $0x3  }
0x92: {  	_ =	strace s17  }
0x93: {  	s2 =	sld [smem:$0x3FFC];
	_ =	sdelay $0x3  }
0x94: {  	_ =	strace s2  }
0x95: {  	s2 =	sld [smem:$0x3FFD];
	_ =	sdelay $0x3  }
0x96: {  	_ =	strace s2  }
0x97: {  	_ =	strace $0x8FFFFFFF  }
0x98: {  	s18 =	sld [smem:$0x3FDB];
	_ =	sdelay $0x1  }
0x99: {  	s19 =	simm.s32 $_scs_section_size  }
0x9a: {  	s4 =	simm.s32 $_size__tile_overlayer_lowered;
	s5 =	simm.s32 $_tile_overlayer_lowered  }
0x9b: {  	s22 =	simm.s32 $0x1BFF;
	s21 =	sshll.u32 s5, $0x1;
	s2 =	sadd.s32 s19, s18  }
0x9c: {  	s6 =	simm.s32 $0x0;
	s20 =	sshll.u32 s4, $0x1;
	s4 =	sadd.s32 s21, s2  }
0x9d: {  	[timem:s6], [sflag:s22] =	dma.local [hbm:s4], s20  }
0x9e: {  	_ =	swait.ge [sflag:s22], s20  }
0x9f: {  	s3 =	ssub.s32 $0x0, s20;
	[sflag:s22] =	ssyncset.done $0x0  }
0xa0: {  	[sflag:s22] =	ssyncadd.s32 s3;
	_ =	sdelay $0x1  }
0xa1: {  	s23 =	simm.s32 $0x1B8B  }
0xa2: {  	_ =	swait.ge [sflag:s23], $0x1  }
0xa3: {  	[sflag:s23] =	ssyncset.done $0x0  }
0xa4: {  	s25 =	simm.s32 $0x1B8E;
	s24 =	sld [smem:$0x3FFE];
	[sflag:s23] =	ssyncadd.s32 $0xFFFFFFFF  }
0xa5: {  	s26 =	simm.s32 $execute0_lowered;
	[smem:$0x3FD2] =	sst s25  }
0xa6: {  	s4 =	sshll.u32 s26, $0x1;
	_ =	strace $0x80000046;
	[dreg:$0x1] =	wrdreg $0xFFFFFFFF  }
0xa7: {  	s28 =	simm.s32 $_size_execute0_lowered;
	s2 =	sadd.s32 s2, s4;
	[dreg:$0x0] =	wrdreg $0x0  }
0xa8: {  	s4 =	sshll.u32 s28, $0x1;
	[dreg:$0x2] =	wrdreg s2  }
0xa9: {  	[dreg:$0x3] =	wrdreg s4  }
0xaa: {  	[dreg:$0x4] =	wrdreg $0xC0  }
0xab: {  	_ =	task [dreg:s6], $0x5FFFF  }
0xac: {  	[dreg:$0x1] =	wrdreg $0xFFFFFFFF  }
0xad: {  	[dreg:$0x0] =	wrdreg $0x60  }
0xae: {  	[dreg:$0x2] =	wrdreg s24  }
0xaf: {  	[dreg:$0x3] =	wrdreg $0x9  }
0xb0: {  	_ =	task.clear_ibuf [dreg:s6], $0x4FFFF;
	_ =	strace $0x90000046  }
0xb1: {  	s29 =	simm.s32 $0x9;
	_ =	strace $0x80000048  }
0xb2: {  	_ =	swait.ge [sflag:s29], $0x1  }
0xb3: {  	[sflag:s29] =	ssyncadd.s32 $0xFFFFFFFF  }
0xb4: {  	_ =	strace $0x90000048  }
0xb5: {  	_ =	sfence  }
0xb6: {  	s30 =	sld [smem:$0x0];
	_ =	sdelay $0x2  }
0xb7: {  	s31 =	sshll.u32 s1, $0xD;
	s1 =	sshrl.u32 s1, $0x2  }
0xb8: {  	s3 =	sand.u32 $0x4000, s31;
	s1 =	sadd.s32 s1, s30  }
0xb9: {  	s0 =	sor.u32 s3, s0;
	s1 =	sshll.u32 s1, $0x11  }
0xba: {  	s0 =	sor.u32 s1, s0  }
0xbb: {  	s0 =	sadd.s32 $0x8F2B, s0  }
0xbc: {  	[sflag:s0] =	ssyncadd.remote.s32 $0x1  }
0xbd: {  	_ =	sfence.sel $0xFFFF  }
0xbe: {  	[dreg:$0x0] =	wrdreg $0xFFFFFFFF;
	(pc) =	sbr.abs _section_cstart, $3  }
0xbf: {  	[dreg:$0x1] =	wrdreg $0xFFFFFFFF  }
0xc0: {  	_ =	task.clear_ibuf [dreg:s6], $0x2FFFF;
	_ =	strace $0x9FFFFFFF  }
0xc1: {  	(tm) =	ssettm $0x7FFFFFFF  }
tec
execute0_lowered:
.L_overlay_start_1:
0x0: {  	(tag) =	ssettag $0x1  }
0x1: {  	s1 =	srdreg.scid  }
0x2: {  	s0 =	stileid.u32;
	s9 =	rddreg [dreg:$0x0];
	s6 =	sand.u32 $0x1, s1  }
0x3: {  	s7 =	simm.s32 $0x80;
	s30 =	sshll.u32 s0, $0x7;
	s2 =	sshll.u32 s6, $0x6  }
0x4: {  	s8 =	simm.s32 $0x1;
	s1 =	rddreg [dreg:$0x1];
	s10 =	sor.u32 s2, s30  }
0x5: {  	s5 =	sadd.s32 $0x5000, s9;
	s2 =	simm.s32 $0x0;
	s3 =	sshrl.u32 s10, $0x3  }
0x6: {  	s11 =	ssub.s32 $0x2, s6;
	[smem:$0x7FF] =	sst s2;
	s3 =	sadd.s32 s3, s9  }
0x7: {  	_ =	strace $0x80000047;
	s4 =	sadd.s32 $0x4E00, s3;
	s3 =	simm.s32 $0x2  }
0x8: {  	[tilespmem:s2], [sflag:$0x2] =	stream.linear.gather [hbm4b:s4+s2], $0x40, $0x38;
	[tilespmem:$0x2080] =	vst v63  }
0x9: {  	s6 =	simm.s32 $0x40;
	s12 =	sshrl.u32 s11, $0x1;
	_ =	swait.ge [sflag:s3], $0x40  }
0xa: {  	s10 =	sshll.u32 s10, $0x4;
	s31 =	ssub.s32 s11, s12;
	[sflag:s3] =	ssyncset.done $0x0  }
0xb: {  	s9 =	sadd.s32 s10, s9;
	s10 =	smax.u32 s31, $0x1;
	[sflag:s3] =	ssyncadd.s32 $0xFFFFFFC0  }
0xc: {  	[tilespmem:s7], [sflag:$0x1] =	stream.indirect.gather [hbm4b:s5+s6], $0x80, s2, s6, $0xb8;
	[tilespmem:$0x2080] =	vst v63  }
0xd: {  	p0 =	sne.s32 s10, $0x1;
	_ =	swait.ge [sflag:s8], $0x2000  }
.Ltmp0:
0xe: {  	[sflag:s8] =	ssyncset.done $0x0;
	(pc) =	sbr.rel @!p0 .LBB2_2-.Ltmp0, $4  }
0xf: {  	s9 =	sadd.s32 $0x18FA00, s9;
	[sflag:s8] =	ssyncadd.s32 $0xFFFFE000  }
0x10: {  	[hbm4b:s9+s2] =	stream.linear.scatter [tilespmem:s7], [sflag:$0x2], $0x2000, $0x38;
	[tilespmem:$0x2080] =	vst v63  }
0x11: {  	_ =	swait.ge [sflag:s3], $0x2000  }
0x12: {  	s10 =	sadd.s32 $0xFFFFFFFF, s10;
	[sflag:s3] =	ssyncset.done $0x0  }
.LBB2_1:
0x13: {  	p0 =	sne.s32 s10, $0x1;
	s10 =	sadd.s32 $0xFFFFFFFF, s10;
	[sflag:s3] =	ssyncadd.s32 $0xFFFFE000  }
0x14: {  	[tilespmem:s2], [sflag:$0x2] =	stream.linear.gather [hbm4b:s4+s2], $0x40, $0x38;
	[tilespmem:$0x2080] =	vst v63  }
0x15: {  	_ =	swait.ge [sflag:s3], $0x40  }
0x16: {  	[sflag:s3] =	ssyncset.done $0x0  }
0x17: {  	[sflag:s3] =	ssyncadd.s32 $0xFFFFFFC0  }
0x18: {  	[tilespmem:s7], [sflag:$0x1] =	stream.indirect.gather [hbm4b:s5+s6], $0x80, s2, s6, $0xb8;
	[tilespmem:$0x2080] =	vst v63  }
0x19: {  	_ =	swait.ge [sflag:s8], $0x2000  }
.Ltmp1:
0x1a: {  	[sflag:s8] =	ssyncset.done $0x0;
	(pc) =	sbr.rel @p0 .LBB2_1-.Ltmp1, $4  }
0x1b: {  	[sflag:s8] =	ssyncadd.s32 $0xFFFFE000  }
0x1c: {  	[hbm4b:s9+s2] =	stream.linear.scatter [tilespmem:s7], [sflag:$0x2], $0x2000, $0x38;
	[tilespmem:$0x2080] =	vst v63  }
0x1d: {  	_ =	swait.ge [sflag:s3], $0x2000  }
0x1e: {  	[sflag:s3] =	ssyncset.done $0x0  }
.LBB2_2:
0x1f: {  	[sflag:s3] =	ssyncadd.s32 $0xFFFFE000  }
0x20: {  	_ =	sfence.sel $0x180000  }
0x21: {  	[bflag:$0x0] =	sbarrier.arrive $0xFFFF  }
0x22: {  	p0 =	sne.s32 s0, $0x0;
	_ =	strace $0x90000047  }
0x23: {  	s0 =	sadd.s32 @!p0 $0x100000, s1;
	[bflag:$0x2] =	sbarrier.arrive $0xFFFF  }
0x24: {  	[sflag:s0] =	ssyncadd.tile.s32 @!p0 $0x1;
	_ =	shalt  }
.Lfunc_end2:
_tile_overlayer_lowered:
.L_overlay_start_2:
0x25: {  	(tag) =	ssettag $0x2  }
0x26: {  	s0 =	rddreg [dreg:$0x0];
	s2 =	stileid.u32  }
0x27: {  	s1 =	rddreg [dreg:$0x1];
	p0 =	sne.s32 s2, $0x0  }
0x28: {  	s3 =	rddreg [dreg:$0x2];
	[bflag:$0x3] =	sbarrier.arrive $0xFFFF;
	s2 =	simm.s32 @!p0 $0x1C02  }
0x29: {  	[timem:s3], [sflag:s2] =	dma.local @!p0 [hbm:s0], s1  }
0x2a: {  	s0 =	simm.s32 @!p0 $0x2  }
0x2b: {  	_ =	swait.ge @!p0 [sflag:s0], s1  }
0x2c: {  	s1 =	ssub.s32 @!p0 $0x0, s1;
	[sflag:s0] =	ssyncset.done @!p0 $0x0  }
0x2d: {  	[sflag:s0] =	ssyncadd.s32 @!p0 s1  }
0x2e: {  	[bflag:$0x3] =	sbarrier.arrive $0xFFFF  }
0x2f: {  	_ =	shalt  }

</sc_bundles>
